<compile_context>
chip_gen: v7x
topology: tpu7x:2x2x1
jax: 0.10.2.dev20260603
libtpu: 0.0.44.dev20260713+nightly
codegen_flags: <defaults>
</compile_context>

<pallas_src>
import functools

import jax
import jax.numpy as jnp
from jax import lax
from jax.experimental import pallas as pl
from jax.experimental.pallas import tpu as pltpu
from jax.experimental.pallas import tpu_sc as plsc

BATCH = 16384
N_TYPES = 1000
TAB_PAD = 1024
NC, NS, L = 2, 16, 16
NW = NC * NS
CHUNK = BATCH // NW
SLICE = TAB_PAD // NS
LAST_BASE = N_TYPES - SLICE

_LN2 = 0.6931471805599453
_SQRT2 = 1.4142135623730951
_P = (
    1.0000083662233654,
    -0.4998235247953396,
    0.3325310803861114,
    -0.2552293761746607,
    0.2203877740075587,
    -0.1376623938583184,
)


def _log16(x):
    bits = plsc.bitcast(x, jnp.int32)
    e = (bits >> 23) - 127
    m = plsc.bitcast((bits & 0x007FFFFF) | 0x3F800000, jnp.float32)
    big = m > _SQRT2
    m = jnp.where(big, m * 0.5, m)
    e = e + jnp.where(big, 1, 0)
    t = m - 1.0
    p = _P[-1]
    for coef in _P[-2::-1]:
        p = p * t + coef
    return e.astype(jnp.float32) * _LN2 + p * t


_mesh = plsc.VectorSubcoreMesh(core_axis_name="c", subcore_axis_name="s")


@functools.partial(
    pl.kernel,
    mesh=_mesh,
    out_type=jax.ShapeDtypeStruct((BATCH,), jnp.float32),
    scratch_types=[
        pltpu.VMEM((SLICE,), jnp.float32),
        pltpu.VMEM((CHUNK,), jnp.int32),
        pltpu.VMEM((CHUNK,), jnp.float32),
        pltpu.VMEM_SHARED((TAB_PAD,), jnp.float32),
        pltpu.SemaphoreType.DMA,
        pltpu.SemaphoreType.DMA,
        pltpu.SemaphoreType.DMA,
    ],
    compiler_params=pltpu.CompilerParams(needs_layout_passes=False),
)
def _logprob_sc(c_hbm, tab_hbm, out_hbm, slice_v, idx_v, out_v, tab_sh,
                sem_t, sem_i, sem_g):
    sid = lax.axis_index("s")
    wid = sid * NC + lax.axis_index("c")
    base = wid * CHUNK
    tbase = jnp.minimum(sid * SLICE, LAST_BASE)
    tab_cp = pltpu.async_copy(tab_hbm.at[pl.ds(tbase, SLICE)], slice_v, sem_t)
    idx_cp = pltpu.async_copy(c_hbm.at[pl.ds(base, CHUNK)], idx_v, sem_i)
    tab_cp.wait()
    for j in range(SLICE // L):
        sl = pl.ds(j * L, L)
        slice_v[sl] = _log16(slice_v[sl])
    pltpu.sync_copy(slice_v, tab_sh.at[pl.ds(tbase, SLICE)])
    plsc.subcore_barrier()
    idx_cp.wait()
    pltpu.async_copy(tab_sh.at[idx_v], out_v, sem_g).wait()
    pltpu.sync_copy(out_v, out_hbm.at[pl.ds(base, CHUNK)])


def kernel(c, probabilities):
    return _logprob_sc(c.astype(jnp.int32), probabilities)

# --- scband reference (transcript-rebuilt; emitter-appended) ---
"""Pipeline reference for scband-cell-type-prior-85383949845190 (READ-ONLY COPY).

The authoritative reference and input builder live on the scoring server;
editing this copy changes nothing except your own understanding.
"""

import jax, jax.numpy as jnp
import numpy as np

N_CELL_TYPES = 1000
BATCH = 16384

def setup_inputs(seed: int = 0) -> dict:
    key = jax.random.key(seed)
    k1, _ = jax.random.split(key)
    c = jax.random.randint(k1, (BATCH,), 0, N_CELL_TYPES, dtype=jnp.int64)
    # learned/buffer parameter: uniform categorical probabilities pi_0
    probabilities = jnp.ones((N_CELL_TYPES,), dtype=jnp.float32) / N_CELL_TYPES
    return {"c": c, "probabilities": probabilities}

def reference(c, probabilities):
    # CellTypePrior.log_prob: log p(c) = log(probabilities[c])
    return jnp.log(jnp.take(probabilities, c, axis=0))

if __name__ == "__main__":
    import jax
    _d = setup_inputs()
    print(jax.jit(kernel)(*tuple(_d.values())))

</pallas_src>

<mosaic_0001>
#map = affine_map<(d0, d1) -> (0)>
module attributes {stable_mosaic.version = 14 : i64} {
  func.func @_logprob_sc(%arg0: i32, %arg1: i32, %arg2: memref<16384xi32, #tpu.memory_space<hbm>>, %arg3: memref<1000xf32, #tpu.memory_space<hbm>>, %arg4: memref<16384xf32, #tpu.memory_space<hbm>>, %arg5: memref<64xf32, #tpu.memory_space<vmem>>, %arg6: memref<512xi32, #tpu.memory_space<vmem>>, %arg7: memref<512xf32, #tpu.memory_space<vmem>>, %arg8: memref<1024xf32, #tpu.memory_space<vmem_shared>>, %arg9: memref<!tpu.dma_semaphore, #tpu.memory_space<semaphore_mem>>, %arg10: memref<!tpu.dma_semaphore, #tpu.memory_space<semaphore_mem>>, %arg11: memref<!tpu.dma_semaphore, #tpu.memory_space<semaphore_mem>>) attributes {dimension_semantics = [#tpu.dimension_semantics<core_parallel>, #tpu.dimension_semantics<subcore_parallel>], iteration_bounds = array<i64: 2, 16>, scalar_prefetch = 0 : i64, scratch_operands = 7 : i64, tpu.core_type = #tpu.core_type<sc_vector_subcore>, window_params = [{transform_indices = #map}, {transform_indices = #map}, {transform_indices = #map}]} {
    %mul3A = arith.constant 2 : i32
    %mul3A_0 = arith.muli %arg1, %mul3A : i32
    %add3A = arith.addi %mul3A_0, %arg0 : i32
    %mul3A_1 = arith.constant 512 : i32
    %mul3A_2 = arith.muli %add3A, %mul3A_1 : i32
    %mul3A_3 = arith.constant 64 : i32
    %mul3A_4 = arith.muli %arg1, %mul3A_3 : i32
    %min3A = arith.constant 936 : i32
    %min3A_5 = arith.minsi %mul3A_4, %min3A : i32
    %dma_start3A = tpu.memref_slice %arg3[%min3A_5] : memref<1000xf32, #tpu.memory_space<hbm>> -> memref<64xf32, #tpu.memory_space<hbm>>
    %dma_start3A_6 = tpu.memref_slice %arg3[%min3A_5] : memref<1000xf32, #tpu.memory_space<hbm>> -> memref<64xf32, #tpu.memory_space<hbm>>
    tpu.enqueue_dma source(%dma_start3A_6 : memref<64xf32, #tpu.memory_space<hbm>>) target(%arg5 : memref<64xf32, #tpu.memory_space<vmem>>) target_semaphore(%arg9 : memref<!tpu.dma_semaphore, #tpu.memory_space<semaphore_mem>>)
    %dma_start3A_7 = tpu.memref_slice %arg2[%mul3A_2] : memref<16384xi32, #tpu.memory_space<hbm>> -> memref<512xi32, #tpu.memory_space<hbm>>
    %dma_start3A_8 = tpu.memref_slice %arg2[%mul3A_2] : memref<16384xi32, #tpu.memory_space<hbm>> -> memref<512xi32, #tpu.memory_space<hbm>>
    tpu.enqueue_dma source(%dma_start3A_8 : memref<512xi32, #tpu.memory_space<hbm>>) target(%arg6 : memref<512xi32, #tpu.memory_space<vmem>>) target_semaphore(%arg10 : memref<!tpu.dma_semaphore, #tpu.memory_space<semaphore_mem>>)
    %dma_wait3A = tpu.memref_slice %arg3[%min3A_5] : memref<1000xf32, #tpu.memory_space<hbm>> -> memref<64xf32, #tpu.memory_space<hbm>>
    %dma_wait3A_9 = tpu.memref_slice %arg3[%min3A_5] : memref<1000xf32, #tpu.memory_space<hbm>> -> memref<64xf32, #tpu.memory_space<hbm>>
    tpu.wait_dma2 semaphore(%arg9 : memref<!tpu.dma_semaphore, #tpu.memory_space<semaphore_mem>>) src(%dma_wait3A_9 : memref<64xf32, #tpu.memory_space<hbm>>) dst(%arg5 : memref<64xf32, #tpu.memory_space<vmem>>)
    %get3A = arith.constant 0 : index
    %get3A_10 = tpu.vector_load %arg5[%get3A] {strides = array<i32>} : memref<64xf32, #tpu.memory_space<vmem>>, vector<16xf32>,
    %bitcast3A = vector.bitcast %get3A_10 : vector<16xf32> to vector<16xi32>
    %shift_right_arithmetic3A = arith.constant 23 : i32
    %shift_right_arithmetic3A_11 = vector.broadcast %shift_right_arithmetic3A : i32 to vector<16xi32>
    %shift_right_arithmetic3A_12 = arith.shrsi %bitcast3A, %shift_right_arithmetic3A_11 : vector<16xi32>
    %sub3A = arith.constant 127 : i32
    %sub3A_13 = vector.broadcast %sub3A : i32 to vector<16xi32>
    %sub3A_14 = arith.subi %shift_right_arithmetic3A_12, %sub3A_13 : vector<16xi32>
    %and3A = arith.constant 8388607 : i32
    %and3A_15 = vector.broadcast %and3A : i32 to vector<16xi32>
    %and3A_16 = arith.andi %bitcast3A, %and3A_15 : vector<16xi32>
    %or3A = arith.constant 1065353216 : i32
    %or3A_17 = vector.broadcast %or3A : i32 to vector<16xi32>
    %or3A_18 = arith.ori %and3A_16, %or3A_17 : vector<16xi32>
    %bitcast3A_19 = vector.bitcast %or3A_18 : vector<16xi32> to vector<16xf32>
    %gt3A = arith.constant 1.41421354 : f32
    %gt3A_20 = vector.broadcast %gt3A : f32 to vector<16xf32>
    %gt3A_21 = arith.cmpf ogt, %bitcast3A_19, %gt3A_20 : vector<16xf32>
    %mul3A_22 = arith.constant 5.000000e-01 : f32
    %mul3A_23 = vector.broadcast %mul3A_22 : f32 to vector<16xf32>
    %mul3A_24 = arith.mulf %bitcast3A_19, %mul3A_23 : vector<16xf32>
    %select_n3A = arith.select %gt3A_21, %mul3A_24, %bitcast3A_19 : vector<16xi1>, vector<16xf32>
    %jit3A = arith.constant 1 : i32
    %jit3A_25 = arith.constant 0 : i32
    %broadcast_in_dim3A = vector.broadcast %jit3A : i32 to vector<16xi32>
    %broadcast_in_dim3A_26 = vector.broadcast %jit3A_25 : i32 to vector<16xi32>
    %select_n3A_27 = arith.select %gt3A_21, %broadcast_in_dim3A, %broadcast_in_dim3A_26 : vector<16xi1>, vector<16xi32>
    %add3A_28 = arith.addi %sub3A_14, %select_n3A_27 : vector<16xi32>
    %sub3A_29 = arith.constant 1.000000e+00 : f32
    %sub3A_30 = vector.broadcast %sub3A_29 : f32 to vector<16xf32>
    %sub3A_31 = arith.subf %select_n3A, %sub3A_30 : vector<16xf32>
    %mul3A_32 = arith.constant -0.137662396 : f32
    %mul3A_33 = vector.broadcast %mul3A_32 : f32 to vector<16xf32>
    %mul3A_34 = arith.mulf %mul3A_33, %sub3A_31 : vector<16xf32>
    %add3A_35 = arith.constant 0.220387772 : f32
    %add3A_36 = vector.broadcast %add3A_35 : f32 to vector<16xf32>
    %add3A_37 = arith.addf %mul3A_34, %add3A_36 : vector<16xf32>
    %mul3A_38 = arith.mulf %add3A_37, %sub3A_31 : vector<16xf32>
    %add3A_39 = arith.constant -0.255229384 : f32
    %add3A_40 = vector.broadcast %add3A_39 : f32 to vector<16xf32>
    %add3A_41 = arith.addf %mul3A_38, %add3A_40 : vector<16xf32>
    %mul3A_42 = arith.mulf %add3A_41, %sub3A_31 : vector<16xf32>
    %add3A_43 = arith.constant 0.332531095 : f32
    %add3A_44 = vector.broadcast %add3A_43 : f32 to vector<16xf32>
    %add3A_45 = arith.addf %mul3A_42, %add3A_44 : vector<16xf32>
    %mul3A_46 = arith.mulf %add3A_45, %sub3A_31 : vector<16xf32>
    %add3A_47 = arith.constant -0.499823511 : f32
    %add3A_48 = vector.broadcast %add3A_47 : f32 to vector<16xf32>
    %add3A_49 = arith.addf %mul3A_46, %add3A_48 : vector<16xf32>
    %mul3A_50 = arith.mulf %add3A_49, %sub3A_31 : vector<16xf32>
    %add3A_51 = arith.constant 1.00000834 : f32
    %add3A_52 = vector.broadcast %add3A_51 : f32 to vector<16xf32>
    %add3A_53 = arith.addf %mul3A_50, %add3A_52 : vector<16xf32>
    %convert_element_type3A = arith.sitofp %add3A_28 : vector<16xi32> to vector<16xf32>
    %mul3A_54 = arith.constant 0.693147182 : f32
    %mul3A_55 = vector.broadcast %mul3A_54 : f32 to vector<16xf32>
    %mul3A_56 = arith.mulf %convert_element_type3A, %mul3A_55 : vector<16xf32>
    %mul3A_57 = arith.mulf %add3A_53, %sub3A_31 : vector<16xf32>
    %add3A_58 = arith.addf %mul3A_56, %mul3A_57 : vector<16xf32>
    %swap3A = arith.constant 0 : index
    %swap3A_59 = tpu.vector_load %arg5[%swap3A] {strides = array<i32>} : memref<64xf32, #tpu.memory_space<vmem>>, vector<16xf32>,
    tpu.vector_store %arg5[%swap3A], %add3A_58 {strides = array<i32>} : memref<64xf32, #tpu.memory_space<vmem>>, vector<16xf32>,
    %get3A_60 = arith.constant 16 : index
    %get3A_61 = tpu.vector_load %arg5[%get3A_60] {strides = array<i32>} : memref<64xf32, #tpu.memory_space<vmem>>, vector<16xf32>,
    %bitcast3A_62 = vector.bitcast %get3A_61 : vector<16xf32> to vector<16xi32>
    %shift_right_arithmetic3A_63 = arith.constant 23 : i32
    %shift_right_arithmetic3A_64 = vector.broadcast %shift_right_arithmetic3A_63 : i32 to vector<16xi32>
    %shift_right_arithmetic3A_65 = arith.shrsi %bitcast3A_62, %shift_right_arithmetic3A_64 : vector<16xi32>
    %sub3A_66 = arith.constant 127 : i32
    %sub3A_67 = vector.broadcast %sub3A_66 : i32 to vector<16xi32>
    %sub3A_68 = arith.subi %shift_right_arithmetic3A_65, %sub3A_67 : vector<16xi32>
    %and3A_69 = arith.constant 8388607 : i32
    %and3A_70 = vector.broadcast %and3A_69 : i32 to vector<16xi32>
    %and3A_71 = arith.andi %bitcast3A_62, %and3A_70 : vector<16xi32>
    %or3A_72 = arith.constant 1065353216 : i32
    %or3A_73 = vector.broadcast %or3A_72 : i32 to vector<16xi32>
    %or3A_74 = arith.ori %and3A_71, %or3A_73 : vector<16xi32>
    %bitcast3A_75 = vector.bitcast %or3A_74 : vector<16xi32> to vector<16xf32>
    %gt3A_76 = arith.constant 1.41421354 : f32
    %gt3A_77 = vector.broadcast %gt3A_76 : f32 to vector<16xf32>
    %gt3A_78 = arith.cmpf ogt, %bitcast3A_75, %gt3A_77 : vector<16xf32>
    %mul3A_79 = arith.constant 5.000000e-01 : f32
    %mul3A_80 = vector.broadcast %mul3A_79 : f32 to vector<16xf32>
    %mul3A_81 = arith.mulf %bitcast3A_75, %mul3A_80 : vector<16xf32>
    %select_n3A_82 = arith.select %gt3A_78, %mul3A_81, %bitcast3A_75 : vector<16xi1>, vector<16xf32>
    %jit3A_83 = arith.constant 1 : i32
    %jit3A_84 = arith.constant 0 : i32
    %broadcast_in_dim3A_85 = vector.broadcast %jit3A_83 : i32 to vector<16xi32>
    %broadcast_in_dim3A_86 = vector.broadcast %jit3A_84 : i32 to vector<16xi32>
    %select_n3A_87 = arith.select %gt3A_78, %broadcast_in_dim3A_85, %broadcast_in_dim3A_86 : vector<16xi1>, vector<16xi32>
    %add3A_88 = arith.addi %sub3A_68, %select_n3A_87 : vector<16xi32>
    %sub3A_89 = arith.constant 1.000000e+00 : f32
    %sub3A_90 = vector.broadcast %sub3A_89 : f32 to vector<16xf32>
    %sub3A_91 = arith.subf %select_n3A_82, %sub3A_90 : vector<16xf32>
    %mul3A_92 = arith.constant -0.137662396 : f32
    %mul3A_93 = vector.broadcast %mul3A_92 : f32 to vector<16xf32>
    %mul3A_94 = arith.mulf %mul3A_93, %sub3A_91 : vector<16xf32>
    %add3A_95 = arith.constant 0.220387772 : f32
    %add3A_96 = vector.broadcast %add3A_95 : f32 to vector<16xf32>
    %add3A_97 = arith.addf %mul3A_94, %add3A_96 : vector<16xf32>
    %mul3A_98 = arith.mulf %add3A_97, %sub3A_91 : vector<16xf32>
    %add3A_99 = arith.constant -0.255229384 : f32
    %add3A_100 = vector.broadcast %add3A_99 : f32 to vector<16xf32>
    %add3A_101 = arith.addf %mul3A_98, %add3A_100 : vector<16xf32>
    %mul3A_102 = arith.mulf %add3A_101, %sub3A_91 : vector<16xf32>
    %add3A_103 = arith.constant 0.332531095 : f32
    %add3A_104 = vector.broadcast %add3A_103 : f32 to vector<16xf32>
    %add3A_105 = arith.addf %mul3A_102, %add3A_104 : vector<16xf32>
    %mul3A_106 = arith.mulf %add3A_105, %sub3A_91 : vector<16xf32>
    %add3A_107 = arith.constant -0.499823511 : f32
    %add3A_108 = vector.broadcast %add3A_107 : f32 to vector<16xf32>
    %add3A_109 = arith.addf %mul3A_106, %add3A_108 : vector<16xf32>
    %mul3A_110 = arith.mulf %add3A_109, %sub3A_91 : vector<16xf32>
    %add3A_111 = arith.constant 1.00000834 : f32
    %add3A_112 = vector.broadcast %add3A_111 : f32 to vector<16xf32>
    %add3A_113 = arith.addf %mul3A_110, %add3A_112 : vector<16xf32>
    %convert_element_type3A_114 = arith.sitofp %add3A_88 : vector<16xi32> to vector<16xf32>
    %mul3A_115 = arith.constant 0.693147182 : f32
    %mul3A_116 = vector.broadcast %mul3A_115 : f32 to vector<16xf32>
    %mul3A_117 = arith.mulf %convert_element_type3A_114, %mul3A_116 : vector<16xf32>
    %mul3A_118 = arith.mulf %add3A_113, %sub3A_91 : vector<16xf32>
    %add3A_119 = arith.addf %mul3A_117, %mul3A_118 : vector<16xf32>
    %swap3A_120 = arith.constant 16 : index
    %swap3A_121 = tpu.vector_load %arg5[%swap3A_120] {strides = array<i32>} : memref<64xf32, #tpu.memory_space<vmem>>, vector<16xf32>,
    tpu.vector_store %arg5[%swap3A_120], %add3A_119 {strides = array<i32>} : memref<64xf32, #tpu.memory_space<vmem>>, vector<16xf32>,
    %get3A_122 = arith.constant 32 : index
    %get3A_123 = tpu.vector_load %arg5[%get3A_122] {strides = array<i32>} : memref<64xf32, #tpu.memory_space<vmem>>, vector<16xf32>,
    %bitcast3A_124 = vector.bitcast %get3A_123 : vector<16xf32> to vector<16xi32>
    %shift_right_arithmetic3A_125 = arith.constant 23 : i32
    %shift_right_arithmetic3A_126 = vector.broadcast %shift_right_arithmetic3A_125 : i32 to vector<16xi32>
    %shift_right_arithmetic3A_127 = arith.shrsi %bitcast3A_124, %shift_right_arithmetic3A_126 : vector<16xi32>
    %sub3A_128 = arith.constant 127 : i32
    %sub3A_129 = vector.broadcast %sub3A_128 : i32 to vector<16xi32>
    %sub3A_130 = arith.subi %shift_right_arithmetic3A_127, %sub3A_129 : vector<16xi32>
    %and3A_131 = arith.constant 8388607 : i32
    %and3A_132 = vector.broadcast %and3A_131 : i32 to vector<16xi32>
    %and3A_133 = arith.andi %bitcast3A_124, %and3A_132 : vector<16xi32>
    %or3A_134 = arith.constant 1065353216 : i32
    %or3A_135 = vector.broadcast %or3A_134 : i32 to vector<16xi32>
    %or3A_136 = arith.ori %and3A_133, %or3A_135 : vector<16xi32>
    %bitcast3A_137 = vector.bitcast %or3A_136 : vector<16xi32> to vector<16xf32>
    %gt3A_138 = arith.constant 1.41421354 : f32
    %gt3A_139 = vector.broadcast %gt3A_138 : f32 to vector<16xf32>
    %gt3A_140 = arith.cmpf ogt, %bitcast3A_137, %gt3A_139 : vector<16xf32>
    %mul3A_141 = arith.constant 5.000000e-01 : f32
    %mul3A_142 = vector.broadcast %mul3A_141 : f32 to vector<16xf32>
    %mul3A_143 = arith.mulf %bitcast3A_137, %mul3A_142 : vector<16xf32>
    %select_n3A_144 = arith.select %gt3A_140, %mul3A_143, %bitcast3A_137 : vector<16xi1>, vector<16xf32>
    %jit3A_145 = arith.constant 1 : i32
    %jit3A_146 = arith.constant 0 : i32
    %broadcast_in_dim3A_147 = vector.broadcast %jit3A_145 : i32 to vector<16xi32>
    %broadcast_in_dim3A_148 = vector.broadcast %jit3A_146 : i32 to vector<16xi32>
    %select_n3A_149 = arith.select %gt3A_140, %broadcast_in_dim3A_147, %broadcast_in_dim3A_148 : vector<16xi1>, vector<16xi32>
    %add3A_150 = arith.addi %sub3A_130, %select_n3A_149 : vector<16xi32>
    %sub3A_151 = arith.constant 1.000000e+00 : f32
    %sub3A_152 = vector.broadcast %sub3A_151 : f32 to vector<16xf32>
    %sub3A_153 = arith.subf %select_n3A_144, %sub3A_152 : vector<16xf32>
    %mul3A_154 = arith.constant -0.137662396 : f32
    %mul3A_155 = vector.broadcast %mul3A_154 : f32 to vector<16xf32>
    %mul3A_156 = arith.mulf %mul3A_155, %sub3A_153 : vector<16xf32>
    %add3A_157 = arith.constant 0.220387772 : f32
    %add3A_158 = vector.broadcast %add3A_157 : f32 to vector<16xf32>
    %add3A_159 = arith.addf %mul3A_156, %add3A_158 : vector<16xf32>
    %mul3A_160 = arith.mulf %add3A_159, %sub3A_153 : vector<16xf32>
    %add3A_161 = arith.constant -0.255229384 : f32
    %add3A_162 = vector.broadcast %add3A_161 : f32 to vector<16xf32>
    %add3A_163 = arith.addf %mul3A_160, %add3A_162 : vector<16xf32>
    %mul3A_164 = arith.mulf %add3A_163, %sub3A_153 : vector<16xf32>
    %add3A_165 = arith.constant 0.332531095 : f32
    %add3A_166 = vector.broadcast %add3A_165 : f32 to vector<16xf32>
    %add3A_167 = arith.addf %mul3A_164, %add3A_166 : vector<16xf32>
    %mul3A_168 = arith.mulf %add3A_167, %sub3A_153 : vector<16xf32>
    %add3A_169 = arith.constant -0.499823511 : f32
    %add3A_170 = vector.broadcast %add3A_169 : f32 to vector<16xf32>
    %add3A_171 = arith.addf %mul3A_168, %add3A_170 : vector<16xf32>
    %mul3A_172 = arith.mulf %add3A_171, %sub3A_153 : vector<16xf32>
    %add3A_173 = arith.constant 1.00000834 : f32
    %add3A_174 = vector.broadcast %add3A_173 : f32 to vector<16xf32>
    %add3A_175 = arith.addf %mul3A_172, %add3A_174 : vector<16xf32>
    %convert_element_type3A_176 = arith.sitofp %add3A_150 : vector<16xi32> to vector<16xf32>
    %mul3A_177 = arith.constant 0.693147182 : f32
    %mul3A_178 = vector.broadcast %mul3A_177 : f32 to vector<16xf32>
    %mul3A_179 = arith.mulf %convert_element_type3A_176, %mul3A_178 : vector<16xf32>
    %mul3A_180 = arith.mulf %add3A_175, %sub3A_153 : vector<16xf32>
    %add3A_181 = arith.addf %mul3A_179, %mul3A_180 : vector<16xf32>
    %swap3A_182 = arith.constant 32 : index
    %swap3A_183 = tpu.vector_load %arg5[%swap3A_182] {strides = array<i32>} : memref<64xf32, #tpu.memory_space<vmem>>, vector<16xf32>,
    tpu.vector_store %arg5[%swap3A_182], %add3A_181 {strides = array<i32>} : memref<64xf32, #tpu.memory_space<vmem>>, vector<16xf32>,
    %get3A_184 = arith.constant 48 : index
    %get3A_185 = tpu.vector_load %arg5[%get3A_184] {strides = array<i32>} : memref<64xf32, #tpu.memory_space<vmem>>, vector<16xf32>,
    %bitcast3A_186 = vector.bitcast %get3A_185 : vector<16xf32> to vector<16xi32>
    %shift_right_arithmetic3A_187 = arith.constant 23 : i32
    %shift_right_arithmetic3A_188 = vector.broadcast %shift_right_arithmetic3A_187 : i32 to vector<16xi32>
    %shift_right_arithmetic3A_189 = arith.shrsi %bitcast3A_186, %shift_right_arithmetic3A_188 : vector<16xi32>
    %sub3A_190 = arith.constant 127 : i32
    %sub3A_191 = vector.broadcast %sub3A_190 : i32 to vector<16xi32>
    %sub3A_192 = arith.subi %shift_right_arithmetic3A_189, %sub3A_191 : vector<16xi32>
    %and3A_193 = arith.constant 8388607 : i32
    %and3A_194 = vector.broadcast %and3A_193 : i32 to vector<16xi32>
    %and3A_195 = arith.andi %bitcast3A_186, %and3A_194 : vector<16xi32>
    %or3A_196 = arith.constant 1065353216 : i32
    %or3A_197 = vector.broadcast %or3A_196 : i32 to vector<16xi32>
    %or3A_198 = arith.ori %and3A_195, %or3A_197 : vector<16xi32>
    %bitcast3A_199 = vector.bitcast %or3A_198 : vector<16xi32> to vector<16xf32>
    %gt3A_200 = arith.constant 1.41421354 : f32
    %gt3A_201 = vector.broadcast %gt3A_200 : f32 to vector<16xf32>
    %gt3A_202 = arith.cmpf ogt, %bitcast3A_199, %gt3A_201 : vector<16xf32>
    %mul3A_203 = arith.constant 5.000000e-01 : f32
    %mul3A_204 = vector.broadcast %mul3A_203 : f32 to vector<16xf32>
    %mul3A_205 = arith.mulf %bitcast3A_199, %mul3A_204 : vector<16xf32>
    %select_n3A_206 = arith.select %gt3A_202, %mul3A_205, %bitcast3A_199 : vector<16xi1>, vector<16xf32>
    %jit3A_207 = arith.constant 1 : i32
    %jit3A_208 = arith.constant 0 : i32
    %broadcast_in_dim3A_209 = vector.broadcast %jit3A_207 : i32 to vector<16xi32>
    %broadcast_in_dim3A_210 = vector.broadcast %jit3A_208 : i32 to vector<16xi32>
    %select_n3A_211 = arith.select %gt3A_202, %broadcast_in_dim3A_209, %broadcast_in_dim3A_210 : vector<16xi1>, vector<16xi32>
    %add3A_212 = arith.addi %sub3A_192, %select_n3A_211 : vector<16xi32>
    %sub3A_213 = arith.constant 1.000000e+00 : f32
    %sub3A_214 = vector.broadcast %sub3A_213 : f32 to vector<16xf32>
    %sub3A_215 = arith.subf %select_n3A_206, %sub3A_214 : vector<16xf32>
    %mul3A_216 = arith.constant -0.137662396 : f32
    %mul3A_217 = vector.broadcast %mul3A_216 : f32 to vector<16xf32>
    %mul3A_218 = arith.mulf %mul3A_217, %sub3A_215 : vector<16xf32>
    %add3A_219 = arith.constant 0.220387772 : f32
    %add3A_220 = vector.broadcast %add3A_219 : f32 to vector<16xf32>
    %add3A_221 = arith.addf %mul3A_218, %add3A_220 : vector<16xf32>
    %mul3A_222 = arith.mulf %add3A_221, %sub3A_215 : vector<16xf32>
    %add3A_223 = arith.constant -0.255229384 : f32
    %add3A_224 = vector.broadcast %add3A_223 : f32 to vector<16xf32>
    %add3A_225 = arith.addf %mul3A_222, %add3A_224 : vector<16xf32>
    %mul3A_226 = arith.mulf %add3A_225, %sub3A_215 : vector<16xf32>
    %add3A_227 = arith.constant 0.332531095 : f32
    %add3A_228 = vector.broadcast %add3A_227 : f32 to vector<16xf32>
    %add3A_229 = arith.addf %mul3A_226, %add3A_228 : vector<16xf32>
    %mul3A_230 = arith.mulf %add3A_229, %sub3A_215 : vector<16xf32>
    %add3A_231 = arith.constant -0.499823511 : f32
    %add3A_232 = vector.broadcast %add3A_231 : f32 to vector<16xf32>
    %add3A_233 = arith.addf %mul3A_230, %add3A_232 : vector<16xf32>
    %mul3A_234 = arith.mulf %add3A_233, %sub3A_215 : vector<16xf32>
    %add3A_235 = arith.constant 1.00000834 : f32
    %add3A_236 = vector.broadcast %add3A_235 : f32 to vector<16xf32>
    %add3A_237 = arith.addf %mul3A_234, %add3A_236 : vector<16xf32>
    %convert_element_type3A_238 = arith.sitofp %add3A_212 : vector<16xi32> to vector<16xf32>
    %mul3A_239 = arith.constant 0.693147182 : f32
    %mul3A_240 = vector.broadcast %mul3A_239 : f32 to vector<16xf32>
    %mul3A_241 = arith.mulf %convert_element_type3A_238, %mul3A_240 : vector<16xf32>
    %mul3A_242 = arith.mulf %add3A_237, %sub3A_215 : vector<16xf32>
    %add3A_243 = arith.addf %mul3A_241, %mul3A_242 : vector<16xf32>
    %swap3A_244 = arith.constant 48 : index
    %swap3A_245 = tpu.vector_load %arg5[%swap3A_244] {strides = array<i32>} : memref<64xf32, #tpu.memory_space<vmem>>, vector<16xf32>,
    tpu.vector_store %arg5[%swap3A_244], %add3A_243 {strides = array<i32>} : memref<64xf32, #tpu.memory_space<vmem>>, vector<16xf32>,
    "tpu.region"() ({
      %run_scoped3A = tpu.sem_alloc : memref<!tpu.dma_semaphore, #tpu.memory_space<semaphore_mem>>
      %dma_start3A_252 = tpu.memref_slice %arg8[%min3A_5] : memref<1024xf32, #tpu.memory_space<vmem_shared>> -> memref<64xf32, #tpu.memory_space<vmem_shared>>
      %dma_start3A_253 = tpu.memref_slice %arg8[%min3A_5] : memref<1024xf32, #tpu.memory_space<vmem_shared>> -> memref<64xf32, #tpu.memory_space<vmem_shared>>
      tpu.enqueue_dma source(%arg5 : memref<64xf32, #tpu.memory_space<vmem>>) target(%dma_start3A_253 : memref<64xf32, #tpu.memory_space<vmem_shared>>) target_semaphore(%run_scoped3A : memref<!tpu.dma_semaphore, #tpu.memory_space<semaphore_mem>>)
      %dma_wait3A_254 = tpu.memref_slice %arg8[%min3A_5] : memref<1024xf32, #tpu.memory_space<vmem_shared>> -> memref<64xf32, #tpu.memory_space<vmem_shared>>
      %dma_wait3A_255 = tpu.memref_slice %arg8[%min3A_5] : memref<1024xf32, #tpu.memory_space<vmem_shared>> -> memref<64xf32, #tpu.memory_space<vmem_shared>>
      tpu.wait_dma2 semaphore(%run_scoped3A : memref<!tpu.dma_semaphore, #tpu.memory_space<semaphore_mem>>) src(%arg5 : memref<64xf32, #tpu.memory_space<vmem>>) dst(%dma_wait3A_255 : memref<64xf32, #tpu.memory_space<vmem_shared>>)
      tpu.yield
    }) : () -> ()
    %barrier3A = arith.constant 0 : index
    tpu.barrier barrier_id(%barrier3A)
    %dma_wait3A_246 = tpu.memref_slice %arg2[%mul3A_2] : memref<16384xi32, #tpu.memory_space<hbm>> -> memref<512xi32, #tpu.memory_space<hbm>>
    %dma_wait3A_247 = tpu.memref_slice %arg2[%mul3A_2] : memref<16384xi32, #tpu.memory_space<hbm>> -> memref<512xi32, #tpu.memory_space<hbm>>
    tpu.wait_dma2 semaphore(%arg10 : memref<!tpu.dma_semaphore, #tpu.memory_space<semaphore_mem>>) src(%dma_wait3A_247 : memref<512xi32, #tpu.memory_space<hbm>>) dst(%arg6 : memref<512xi32, #tpu.memory_space<vmem>>)
    %dma_start3A_248 = arith.constant 0 : i32
    %dma_start3A_249 = tpu.memref_slice %arg8[%dma_start3A_248] : memref<1024xf32, #tpu.memory_space<vmem_shared>> -> memref<1024xf32, #tpu.memory_space<vmem_shared>>
    tpu.enqueue_indirect_dma source(%dma_start3A_249 : memref<1024xf32, #tpu.memory_space<vmem_shared>>) target(%arg7 : memref<512xf32, #tpu.memory_space<vmem>>) offsets(%arg6 : memref<512xi32, #tpu.memory_space<vmem>>) semaphore(%arg11 : memref<!tpu.dma_semaphore, #tpu.memory_space<semaphore_mem>>)
    %dma_wait3A_250 = arith.constant 0 : i32
    %dma_wait3A_251 = tpu.memref_slice %arg8[%dma_wait3A_250] : memref<1024xf32, #tpu.memory_space<vmem_shared>> -> memref<1024xf32, #tpu.memory_space<vmem_shared>>
    tpu.wait_indirect_dma semaphore(%arg11 : memref<!tpu.dma_semaphore, #tpu.memory_space<semaphore_mem>>) src(%dma_wait3A_251 : memref<1024xf32, #tpu.memory_space<vmem_shared>>) dst(%arg7 : memref<512xf32, #tpu.memory_space<vmem>>)
    "tpu.region"() ({
      %run_scoped3A = tpu.sem_alloc : memref<!tpu.dma_semaphore, #tpu.memory_space<semaphore_mem>>
      %dma_start3A_252 = tpu.memref_slice %arg4[%mul3A_2] : memref<16384xf32, #tpu.memory_space<hbm>> -> memref<512xf32, #tpu.memory_space<hbm>>
      %dma_start3A_253 = tpu.memref_slice %arg4[%mul3A_2] : memref<16384xf32, #tpu.memory_space<hbm>> -> memref<512xf32, #tpu.memory_space<hbm>>
      tpu.enqueue_dma source(%arg7 : memref<512xf32, #tpu.memory_space<vmem>>) target(%dma_start3A_253 : memref<512xf32, #tpu.memory_space<hbm>>) target_semaphore(%run_scoped3A : memref<!tpu.dma_semaphore, #tpu.memory_space<semaphore_mem>>)
      %dma_wait3A_254 = tpu.memref_slice %arg4[%mul3A_2] : memref<16384xf32, #tpu.memory_space<hbm>> -> memref<512xf32, #tpu.memory_space<hbm>>
      %dma_wait3A_255 = tpu.memref_slice %arg4[%mul3A_2] : memref<16384xf32, #tpu.memory_space<hbm>> -> memref<512xf32, #tpu.memory_space<hbm>>
      tpu.wait_dma2 semaphore(%run_scoped3A : memref<!tpu.dma_semaphore, #tpu.memory_space<semaphore_mem>>) src(%arg7 : memref<512xf32, #tpu.memory_space<vmem>>) dst(%dma_wait3A_255 : memref<512xf32, #tpu.memory_space<hbm>>)
      tpu.yield
    }) : () -> ()
    return
  }
}

</mosaic_0001>

<sc_bundles>
// kernel: kernel.3.cloned.1.call-start
scs
__scs_entry_jumppad:
0x0: {  	(pc) =	sbr.rel $0x88, $3  }
0x1: {  	(tag) =	ssettag $0x0;
	lr =	simm.s32 $0x1  }
0x2: {  	[smem:$0x3F9F] =	sst lr;
	_ =	strace $0xD0000000  }
0x3: {  	_ = 	snop  }
0x4: {  	_ = 	snop  }
0x5: {  	_ = 	snop  }
0x6: {  	_ = 	snop  }
0x7: {  	_ = 	snop  }
__scs_overlays_trampoline_lowered:
0x8: {  	[smem:$0x3FAE] =	sst s0  }
0x9: {  	[smem:$0x3FAF] =	sst s1  }
0xa: {  	[smem:$0x3FB0] =	sst s2  }
0xb: {  	[smem:$0x3FB1] =	sst s3  }
0xc: {  	[smem:$0x3FB2] =	sst s4  }
0xd: {  	[smem:$0x3FB3] =	sst s5  }
0xe: {  	[smem:$0x3FB4] =	sst s6  }
0xf: {  	[smem:$0x3FB5] =	sst s7  }
0x10: {  	[smem:$0x3FB6] =	sst s8  }
0x11: {  	[smem:$0x3FB7] =	sst s9;
	s0 =	simm.s32 @!p0 $0x0  }
0x12: {  	s1 =	sld [smem:$0x3F9D];
	s0 =	simm.s32 @p0 $0x1  }
0x13: {  	[smem:$0x3FB8] =	sst s0;
	s0 =	simm.s32 @!p1 $0x0  }
0x14: {  	s2 =	sld [smem:$0x3F9C];
	s0 =	simm.s32 @p1 $0x1  }
0x15: {  	[smem:$0x3FB9] =	sst s0;
	s0 =	simm.s32 @!p2 $0x0  }
0x16: {  	s3 =	sld [smem:$0x3FDB];
	s0 =	simm.s32 @p2 $0x1  }
0x17: {  	s4 =	simm.s32 $0x1BF5;
	[smem:$0x3FBB] =	sst s0  }
0x18: {  	s0 =	sld [smem:$0x3F9E];
	_ =	swait.ge [sflag:s4], $0x0  }
0x19: {  	s7 =	sld [smem:$0x3F9F]  }
0x1a: {  	s8 =	sadd.s32 $0xFFFFE003, lr  }
0x1b: {  	s9 =	sadd.s32 $0xFFFFFEF7, lr;
	s5 =	simm.s32 $0xFFFFFFFF;
	p2 =	slt.u32 s8, $0xFFFFF086  }
0x1c: {  	p1 =	slt.u32 s9, $0xF7A;
	s5 =	simm.s32 @!p2 $0x0  }
0x1d: {  	s5 =	simm.s32 @p1 $0x1;
	p0 =	seq.s32 s7, s2  }
0x1e: {  	s7 =	smul.u32 @!p0 $0xF7A, s2;
	p2 =	seq.s32 @!p0 s5, $0x0  }
0x1f: {  	s9 =	smul.u32 $0xF7A, s1;
	s8 =	simm.s32 @!p0 $0x1BF5;
	p2 =	por !p2, p0  }
0x20: {  	[sflag:s8] =	ssyncset.s32 @!p0 $0xFFFFF086;
	s6 =	sadd.s32 @!p0 s3, s7;
	s7 =	simm.s32 @!p0 $0x108  }
0x21: {  	s3 =	sadd.s32 s3, s9;
	s6 =	sadd.s32 @!p0 $0x88, s6;
	s7 =	simm.s32 @p2 $0x1082  }
0x22: {  	[simem:s7], [sflag:s8] =	dma.local @!p0 [hbm:s6], $0xF7A  }
0x23: {  	s9 =	sor.u32 $0xD0000000, s2;
	s6 =	simm.s32 $0x108;
	_ =	swait.ge @!p0 [sflag:s8], $0x0  }
0x24: {  	s3 =	sadd.s32 $0x88, s3;
	s6 =	simm.s32 @!p1 $0x1082;
	[sflag:s4] =	ssyncset.s32 $0xFFFFF086  }
0x25: {  	[simem:s6], [sflag:s4] =	dma.local [hbm:s3], $0xF7A  }
0x26: {  	[smem:$0x3F9F] =	sst s1;
	(tag) =	ssettag s2;
	_ =	strace s9  }
0x27: {  	s1 =	sld [smem:$0x3FAF]  }
0x28: {  	s2 =	sld [smem:$0x3FB0]  }
0x29: {  	s4 =	sld [smem:$0x3FB2]  }
0x2a: {  	p0 =	seq.s32 s5, $0x0;
	s5 =	sld [smem:$0x3FB3]  }
0x2b: {  	s6 =	sld [smem:$0x3FB4]  }
0x2c: {  	s7 =	sld [smem:$0x3FB5]  }
0x2d: {  	s3 =	simm.s32 $0x108;
	s8 =	sld [smem:$0x3FB6]  }
0x2e: {  	s3 =	simm.s32 @!p0 $0x1082;
	s9 =	sld [smem:$0x3FB7]  }
0x2f: {  	lr =	sadd.s32 s0, s3;
	s0 =	sld [smem:$0x3FAE]  }
0x30: {  	s3 =	sld [smem:$0x3FB1]  }
0x31: {  	[smem:$0x3FBA] =	sst s10  }
0x32: {  	s10 =	sld [smem:$0x3FB8];
	_ =	sdelay $0x3  }
0x33: {  	p0 =	seq.s32 s10, $0x1;
	s10 =	sld [smem:$0x3FBA];
	_ =	sdelay $0x3  }
0x34: {  	[smem:$0x3FBA] =	sst s10  }
0x35: {  	s10 =	sld [smem:$0x3FB9];
	_ =	sdelay $0x3  }
0x36: {  	p1 =	seq.s32 s10, $0x1;
	s10 =	sld [smem:$0x3FBA];
	_ =	sdelay $0x3  }
0x37: {  	[smem:$0x3FBA] =	sst s10  }
0x38: {  	s10 =	sld [smem:$0x3FBB]  }
0x39: {  	_ = 	snop;
	(pc) =	sbr.ind lr, $3  }
0x3a: {  	_ = 	snop  }
0x3b: {  	_ = 	snop  }
0x3c: {  	p2 =	seq.s32 s10, $0x1;
	s10 =	sld [smem:$0x3FBA]  }
0x3d: {  	_ =	shalt  }
0x3e: {  	_ =	shalt  }
0x3f: {  	_ =	shalt  }
0x40: {  	_ =	shalt  }
0x41: {  	_ =	shalt  }
0x42: {  	_ =	shalt  }
0x43: {  	_ =	shalt  }
0x44: {  	_ =	shalt  }
0x45: {  	_ =	shalt  }
0x46: {  	_ =	shalt  }
0x47: {  	_ =	shalt  }
0x48: {  	_ =	shalt  }
0x49: {  	_ =	shalt  }
0x4a: {  	_ =	shalt  }
0x4b: {  	_ =	shalt  }
0x4c: {  	_ =	shalt  }
0x4d: {  	_ =	shalt  }
0x4e: {  	_ =	shalt  }
0x4f: {  	_ =	shalt  }
0x50: {  	_ =	shalt  }
0x51: {  	_ =	shalt  }
0x52: {  	_ =	shalt  }
0x53: {  	_ =	shalt  }
0x54: {  	_ =	shalt  }
0x55: {  	_ =	shalt  }
0x56: {  	_ =	shalt  }
0x57: {  	_ =	shalt  }
0x58: {  	_ =	shalt  }
0x59: {  	_ =	shalt  }
0x5a: {  	_ =	shalt  }
0x5b: {  	_ =	shalt  }
0x5c: {  	_ =	shalt  }
0x5d: {  	_ =	shalt  }
0x5e: {  	_ =	shalt  }
0x5f: {  	_ =	shalt  }
0x60: {  	_ =	shalt  }
0x61: {  	_ =	shalt  }
0x62: {  	_ =	shalt  }
0x63: {  	_ =	shalt  }
0x64: {  	_ =	shalt  }
0x65: {  	_ =	shalt  }
0x66: {  	_ =	shalt  }
0x67: {  	_ =	shalt  }
0x68: {  	_ =	shalt  }
0x69: {  	_ =	shalt  }
0x6a: {  	_ =	shalt  }
0x6b: {  	_ =	shalt  }
0x6c: {  	_ =	shalt  }
0x6d: {  	_ =	shalt  }
0x6e: {  	_ =	shalt  }
0x6f: {  	_ =	shalt  }
0x70: {  	_ =	shalt  }
0x71: {  	_ =	shalt  }
0x72: {  	_ =	shalt  }
0x73: {  	_ =	shalt  }
0x74: {  	_ =	shalt  }
0x75: {  	_ =	shalt  }
0x76: {  	_ =	shalt  }
0x77: {  	_ =	shalt  }
0x78: {  	_ =	shalt  }
0x79: {  	_ =	shalt  }
0x7a: {  	_ =	shalt  }
0x7b: {  	_ =	shalt  }
0x7c: {  	_ =	shalt  }
0x7d: {  	_ =	shalt  }
0x7e: {  	_ =	shalt  }
0x7f: {  	_ =	shalt  }
0x80: {  	_ =	shalt  }
0x81: {  	_ =	shalt  }
0x82: {  	_ =	shalt  }
0x83: {  	_ =	shalt  }
0x84: {  	_ =	shalt  }
0x85: {  	_ =	shalt  }
0x86: {  	_ =	shalt  }
0x87: {  	_ =	shalt  }
.Lfunc_end0:
.L_simem_size_0:
called_computation_lowered:
.L_overlay_start_0:
0x88: {  	s2 =	sld [smem:$0x3FD9]  }
0x89: {  	s3 =	sld [smem:$0x3FFE];
	_ =	sdelay $0x1  }
0x8a: {  	s1 =	srdreg.scid  }
0x8b: {  	s0 =	sand.u32 $0x1, s1  }
0x8c: {  	s18 =	sshll.u32 s0, $0xA;
	s2 =	sadd.s32 s3, s2  }
0x8d: {  	s2 =	sadd.s32 s2, s18  }
0x8e: {  	[smem:$0x3FC6] =	sst s2  }
0x8f: {  	_ = 	snop  }
0x90: {  	s2 =	sld [smem:$0x3FC9]  }
0x91: {  	s19 =	sld [smem:$0x3FC8]  }
0x92: {  	s4 =	sld [smem:$0x3FD0];
	(tm) =	ssettm $0x1  }
0x93: {  	s5 =	sld [smem:$0x3FFB];
	_ =	sdelay $0x3  }
0x94: {  	_ =	strace s5  }
0x95: {  	s5 =	sld [smem:$0x3FFC];
	_ =	sdelay $0x3  }
0x96: {  	_ =	strace s5  }
0x97: {  	s5 =	sld [smem:$0x3FFD];
	_ =	sdelay $0x3  }
0x98: {  	_ =	strace s5  }
0x99: {  	_ =	strace $0x8FFFFFFF  }
0x9a: {  	s20 =	sld [smem:$0x3FDB];
	_ =	sdelay $0x1  }
0x9b: {  	s6 =	simm.s32 $_scs_section_size  }
0x9c: {  	s7 =	simm.s32 $_size__tile_overlayer_lowered;
	s8 =	simm.s32 $_tile_overlayer_lowered  }
0x9d: {  	s23 =	simm.s32 $0x1BFF;
	s22 =	sshll.u32 s8, $0x1;
	s5 =	sadd.s32 s6, s20  }
0x9e: {  	s9 =	simm.s32 $0x0;
	s21 =	sshll.u32 s7, $0x1;
	s7 =	sadd.s32 s22, s5  }
0x9f: {  	[timem:s9], [sflag:s23] =	dma.local [hbm:s7], s21  }
0xa0: {  	_ =	swait.ge [sflag:s23], s21  }
0xa1: {  	s6 =	ssub.s32 $0x0, s21;
	[sflag:s23] =	ssyncset.done $0x0  }
0xa2: {  	[sflag:s23] =	ssyncadd.s32 s6;
	_ =	sdelay $0x1  }
0xa3: {  	s24 =	simm.s32 $0x1B8B  }
0xa4: {  	_ =	swait.ge [sflag:s24], $0x1  }
0xa5: {  	[sflag:s24] =	ssyncset.done $0x0  }
0xa6: {  	s25 =	simm.s32 $0x1B8E;
	[sflag:s24] =	ssyncadd.s32 $0xFFFFFFFF  }
0xa7: {  	s26 =	simm.s32 $execute0_lowered;
	[smem:$0x3FD2] =	sst s25  }
0xa8: {  	s6 =	sshll.u32 s26, $0x1;
	_ =	strace $0x80000046;
	[dreg:$0x1] =	wrdreg $0xFFFFFFFF  }
0xa9: {  	s28 =	simm.s32 $_size_execute0_lowered;
	s5 =	sadd.s32 s5, s6;
	[dreg:$0x0] =	wrdreg $0x0  }
0xaa: {  	s6 =	sshll.u32 s28, $0x1;
	[dreg:$0x2] =	wrdreg s5  }
0xab: {  	[dreg:$0x3] =	wrdreg s6  }
0xac: {  	[dreg:$0x4] =	wrdreg $0xC0  }
0xad: {  	_ =	task [dreg:s9], $0x5FFFF  }
0xae: {  	[dreg:$0x1] =	wrdreg $0xFFFFFFFF  }
0xaf: {  	[dreg:$0x0] =	wrdreg $0x60  }
0xb0: {  	[dreg:$0x2] =	wrdreg s2  }
0xb1: {  	[dreg:$0x3] =	wrdreg s19  }
0xb2: {  	[dreg:$0x4] =	wrdreg s4  }
0xb3: {  	[dreg:$0x5] =	wrdreg $0x4800  }
0xb4: {  	[dreg:$0x6] =	wrdreg $0x9  }
0xb5: {  	_ =	task.clear_ibuf [dreg:s9], $0x7FFFF;
	_ =	strace $0x90000046  }
0xb6: {  	s29 =	simm.s32 $0x9;
	_ =	strace $0x80000048  }
0xb7: {  	_ =	swait.ge [sflag:s29], $0x1  }
0xb8: {  	[sflag:s29] =	ssyncadd.s32 $0xFFFFFFFF  }
0xb9: {  	_ =	strace $0x90000048  }
0xba: {  	_ =	sfence  }
0xbb: {  	s30 =	sld [smem:$0x0];
	_ =	sdelay $0x2  }
0xbc: {  	s31 =	sshll.u32 s1, $0xD;
	s1 =	sshrl.u32 s1, $0x2  }
0xbd: {  	s3 =	sand.u32 $0x4000, s31;
	s1 =	sadd.s32 s1, s30  }
0xbe: {  	s0 =	sor.u32 s3, s0;
	s1 =	sshll.u32 s1, $0x11  }
0xbf: {  	s0 =	sor.u32 s1, s0  }
0xc0: {  	s0 =	sadd.s32 $0x8F2B, s0  }
0xc1: {  	[sflag:s0] =	ssyncadd.remote.s32 $0x1  }
0xc2: {  	_ =	sfence.sel $0xFFFF  }
0xc3: {  	[dreg:$0x0] =	wrdreg $0xFFFFFFFF;
	(pc) =	sbr.abs _section_cstart, $3  }
0xc4: {  	[dreg:$0x1] =	wrdreg $0xFFFFFFFF  }
0xc5: {  	_ =	task.clear_ibuf [dreg:s9], $0x2FFFF;
	_ =	strace $0x9FFFFFFF  }
0xc6: {  	(tm) =	ssettm $0x7FFFFFFF  }
0xc7: {  	_ =	shalt  }
tec
execute0_lowered:
.L_overlay_start_1:
0x0: {  	(tag) =	ssettag $0x1  }
0x1: {  	s5 =	rddreg [dreg:$0x0]  }
0x2: {  	s4 =	rddreg [dreg:$0x1]  }
0x3: {  	s13 =	rddreg [dreg:$0x2]  }
0x4: {  	s3 =	rddreg [dreg:$0x3]  }
0x5: {  	s0 =	rddreg [dreg:$0x4];
	s1 =	stileid.u32  }
0x6: {  	s2 =	simm.s32 $0x0;
	s6 =	srdreg.scid;
	s7 =	sshll.u32 s1, $0x6  }
0x7: {  	[smem:$0x7FF] =	sst s2;
	s10 =	sand.u32 $0x1, s6;
	s8 =	smin.u32 s7, $0x3A8  }
0x8: {  	s30 =	sshll.u32 s1, $0x7;
	s31 =	sshll.u32 s10, $0x6;
	s9 =	sshrl.u32 s8, $0x3  }
0x9: {  	_ =	strace $0x80000047;
	s14 =	sor.u32 s31, s30;
	s4 =	sadd.s32 s4, s9  }
0xa: {  	[tilespmem:s2], [sflag:$0x1] =	stream.linear.gather [hbm4b:s4+s2], $0x40, $0x38;
	[tilespmem:$0x4C0] =	vst v63  }
0xb: {  	s6 =	simm.s32 $0x80;
	s7 =	simm.s32 $0x1;
	s5 =	sadd.s32 s5, s14  }
0xc: {  	[tilespmem:s6], [sflag:$0x2] =	stream.linear.gather [hbm4b:s5+s2], $0x200, $0x38;
	[tilespmem:$0x4C0] =	vst v63  }
0xd: {  	_ =	swait.ge [sflag:s7], $0x40  }
0xe: {  	[sflag:s7] =	ssyncset.done $0x0  }
0xf: {  	[sflag:s7] =	ssyncadd.s32 $0xFFFFFFC0  }
0x10: {  	v1 =	vld [tilespmem:$0x30]  }
0x11: {  	v2 =	vld [tilespmem:$0x20]  }
0x12: {  	v3 =	vld [tilespmem:$0x0]  }
0x13: {  	v4 =	vld [tilespmem:$0x10];
	_ =	sdelay $0x2  }
0x14: {  	v0 =	vimm.s32 $0x0;
	v5 =	vshra.s32 v1, $0x17  }
0x15: {  	v1 =	vand.u32 $0x7FFFFF, v1;
	v6 =	vand.u32 $0x7FFFFF, v2;
	v7 =	vand.u32 $0x7FFFFF, v3  }
0x16: {  	v8 =	vand.u32 $0x7FFFFF, v4;
	v1 =	vor.u32 $0x3F800000, v1;
	v7 =	vor.u32 $0x3F800000, v7  }
0x17: {  	v6 =	vor.u32 $0x3F800000, v6;
	v8 =	vor.u32 $0x3F800000, v8;
	v9 =	vmul.f32 $5.000000000e-01, v7  }
0x18: {  	v10 =	vmul.f32 $5.000000000e-01, v8;
	v11 =	vmul.f32 $5.000000000e-01, v1;
	vm1 =	vgt.f32 v7, $1.414213540e+00  }
0x19: {  	vm2 =	vgt.f32 v8, $1.414213540e+00;
	vm3 =	vgt.f32 v1, $1.414213540e+00;
	v7 =	vsel vm1, v9, v7  }
0x1a: {  	v56 =	vmul.f32 $5.000000000e-01, v6;
	v1 =	vsel vm3, v11, v1;
	v7 =	vadd.f32 $-1.000000000e+00, v7  }
0x1b: {  	vm0 =	vgt.f32 v6, $1.414213540e+00;
	v8 =	vsel vm2, v10, v8;
	v1 =	vadd.f32 $-1.000000000e+00, v1  }
0x1c: {  	v6 =	vsel vm0, v56, v6;
	v8 =	vadd.f32 $-1.000000000e+00, v8;
	v57 =	vmul.f32 $1.376623960e-01, v7  }
0x1d: {  	v3 =	vshra.s32 v3, $0x17;
	v6 =	vadd.f32 $-1.000000000e+00, v6;
	v58 =	vmul.f32 $1.376623960e-01, v1  }
0x1e: {  	v2 =	vshra.s32 v2, $0x17;
	v12 =	vmul.f32 $1.376623960e-01, v8;
	v10 =	vsub.f32 $2.203877720e-01, v57  }
0x1f: {  	v4 =	vshra.s32 v4, $0x17;
	v60 =	vmul.f32 $1.376623960e-01, v6;
	v9 =	vsub.f32 $2.203877720e-01, v58  }
0x20: {  	v59 =	vsel vm1, $0x1, v0;
	v12 =	vsub.f32 $2.203877720e-01, v12;
	v10 =	vmul.f32 v10, v7  }
0x21: {  	v13 =	vsel vm2, $0x1, v0;
	v11 =	vsub.f32 $2.203877720e-01, v60;
	v9 =	vmul.f32 v9, v1  }
0x22: {  	v61 =	vsel vm3, $0x1, v0;
	v12 =	vmul.f32 v12, v8;
	v10 =	vadd.f32 $-2.552293840e-01, v10  }
0x23: {  	v62 =	vsel vm0, $0x1, v0;
	v11 =	vmul.f32 v11, v6;
	v9 =	vadd.f32 $-2.552293840e-01, v9  }
0x24: {  	v3 =	vadd.s32 v59, v3;
	v12 =	vadd.f32 $-2.552293840e-01, v12;
	v10 =	vmul.f32 v10, v7  }
0x25: {  	v4 =	vadd.s32 v13, v4;
	v11 =	vadd.f32 $-2.552293840e-01, v11;
	v9 =	vmul.f32 v9, v1  }
0x26: {  	v5 =	vadd.s32 v61, v5;
	v12 =	vmul.f32 v12, v8;
	v10 =	vadd.f32 $3.325310950e-01, v10  }
0x27: {  	v2 =	vadd.s32 v62, v2;
	v11 =	vmul.f32 v11, v6;
	v9 =	vadd.f32 $3.325310950e-01, v9  }
0x28: {  	v3 =	vadd.s32 $0xFFFFFF81, v3;
	v12 =	vadd.f32 $3.325310950e-01, v12;
	v10 =	vmul.f32 v10, v7  }
0x29: {  	v4 =	vadd.s32 $0xFFFFFF81, v4;
	v11 =	vadd.f32 $3.325310950e-01, v11;
	v9 =	vmul.f32 v9, v1  }
0x2a: {  	v5 =	vadd.s32 $0xFFFFFF81, v5;
	v12 =	vmul.f32 v12, v8;
	v10 =	vadd.f32 $-4.998235110e-01, v10  }
0x2b: {  	v2 =	vadd.s32 $0xFFFFFF81, v2;
	v11 =	vmul.f32 v11, v6;
	v9 =	vadd.f32 $-4.998235110e-01, v9  }
0x2c: {  	v4 =	vcvt.s32.f32 v4;
	v12 =	vadd.f32 $-4.998235110e-01, v12;
	v10 =	vmul.f32 v10, v7  }
0x2d: {  	v3 =	vcvt.s32.f32 v3;
	v11 =	vadd.f32 $-4.998235110e-01, v11;
	v9 =	vmul.f32 v9, v1  }
0x2e: {  	v5 =	vcvt.s32.f32 v5;
	v12 =	vmul.f32 v12, v8;
	v10 =	vadd.f32 $1.000008340e+00, v10  }
0x2f: {  	v2 =	vcvt.s32.f32 v2;
	v11 =	vmul.f32 v11, v6;
	v9 =	vadd.f32 $1.000008340e+00, v9  }
0x30: {  	v3 =	vmul.f32 $6.931471820e-01, v3;
	v12 =	vadd.f32 $1.000008340e+00, v12;
	v7 =	vmul.f32 v10, v7  }
0x31: {  	v5 =	vmul.f32 $6.931471820e-01, v5;
	v63 =	vadd.f32 $1.000008340e+00, v11;
	v1 =	vmul.f32 v9, v1  }
0x32: {  	v4 =	vmul.f32 $6.931471820e-01, v4;
	v8 =	vmul.f32 v12, v8;
	v3 =	vadd.f32 v7, v3  }
0x33: {  	v2 =	vmul.f32 $6.931471820e-01, v2;
	v6 =	vmul.f32 v63, v6;
	v1 =	vadd.f32 v1, v5  }
0x34: {  	v4 =	vadd.f32 v8, v4;
	[tilespmem:$0x0] =	vst v3  }
0x35: {  	v2 =	vadd.f32 v6, v2;
	[tilespmem:$0x30] =	vst v1  }
0x36: {  	s11 =	ssub.s32 $0x2, s10;
	[tilespmem:$0x10] =	vst v4  }
0x37: {  	s12 =	sshrl.u32 s11, $0x1;
	s9 =	sadd.s32 s8, s3;
	s8 =	simm.s32 $0x4;
	[tilespmem:$0x20] =	vst v2  }
0x38: {  	[spmem:s9] =	stream.linear.scatter [tilespmem:s2], [sflag:$0x4], $0x40, $0x38;
	[tilespmem:$0x4C0] =	vst v63  }
0x39: {  	s11 =	ssub.s32 s11, s12;
	_ =	swait.ge [sflag:s8], $0x40  }
0x3a: {  	s15 =	smax.u32 s11, $0x1;
	[sflag:s8] =	ssyncset.done $0x0  }
0x3b: {  	p0 =	sne.s32 s15, $0x1;
	[sflag:s8] =	ssyncadd.s32 $0xFFFFFFC0  }
.Ltmp0:
0x3c: {  	s10 =	simm.s32 $0x2;
	[bflag:$0x0] =	sbarrier.arrive $0xFFFF;
	(pc) =	sbr.rel @!p0 .LBB2_2-.Ltmp0, $4  }
0x3d: {  	s12 =	simm.s32 $0x200;
	_ =	swait.ge [sflag:s10], $0x200  }
0x3e: {  	s13 =	sadd.s32 s13, s14;
	s14 =	simm.s32 $0x3;
	[sflag:s10] =	ssyncset.done $0x0  }
0x3f: {  	s11 =	simm.s32 $0x280;
	s15 =	sadd.s32 $0xFFFFFFFF, s15;
	[sflag:s10] =	ssyncadd.s32 $0xFFFFFE00  }
0x40: {  	[tilespmem:s11], [sflag:$0x3] =	stream.indirect.gather [spmem:s3], $0x1, s6, s12, $0xb8;
	[tilespmem:$0x4C0] =	vst v63  }
.LBB2_1:
0x41: {  	p0 =	sne.s32 s15, $0x1;
	s15 =	sadd.s32 $0xFFFFFFFF, s15;
	_ =	swait.ge [sflag:s14], $0x200  }
0x42: {  	[sflag:s14] =	ssyncset.done $0x0  }
0x43: {  	[sflag:s14] =	ssyncadd.s32 $0xFFFFFE00  }
0x44: {  	[hbm4b:s13+s2] =	stream.linear.scatter [tilespmem:s11], [sflag:$0x4], $0x200, $0x38;
	[tilespmem:$0x4C0] =	vst v63  }
0x45: {  	_ =	swait.ge [sflag:s8], $0x200  }
0x46: {  	[sflag:s8] =	ssyncset.done $0x0  }
0x47: {  	[sflag:s8] =	ssyncadd.s32 $0xFFFFFE00  }
0x48: {  	[tilespmem:s2], [sflag:$0x1] =	stream.linear.gather [hbm4b:s4+s2], $0x40, $0x38;
	[tilespmem:$0x4C0] =	vst v63  }
0x49: {  	_ = 	snop  }
0x4a: {  	[tilespmem:s6], [sflag:$0x2] =	stream.linear.gather [hbm4b:s5+s2], $0x200, $0x38;
	[tilespmem:$0x4C0] =	vst v63  }
0x4b: {  	_ =	swait.ge [sflag:s7], $0x40  }
0x4c: {  	[sflag:s7] =	ssyncset.done $0x0  }
0x4d: {  	[sflag:s7] =	ssyncadd.s32 $0xFFFFFFC0  }
0x4e: {  	v1 =	vld [tilespmem:$0x30]  }
0x4f: {  	v2 =	vld [tilespmem:$0x20]  }
0x50: {  	v3 =	vld [tilespmem:$0x10]  }
0x51: {  	v4 =	vld [tilespmem:$0x0];
	_ =	sdelay $0x1  }
0x52: {  	v5 =	vshra.s32 v1, $0x17;
	v1 =	vand.u32 $0x7FFFFF, v1  }
0x53: {  	v6 =	vshra.s32 v2, $0x17;
	v2 =	vand.u32 $0x7FFFFF, v2;
	v1 =	vor.u32 $0x3F800000, v1  }
0x54: {  	v7 =	vshra.s32 v3, $0x17;
	v3 =	vand.u32 $0x7FFFFF, v3;
	v2 =	vor.u32 $0x3F800000, v2  }
0x55: {  	v8 =	vand.u32 $0x7FFFFF, v4;
	v3 =	vor.u32 $0x3F800000, v3;
	vm0 =	vgt.f32 v2, $1.414213540e+00  }
0x56: {  	v10 =	vmul.f32 $5.000000000e-01, v1;
	v8 =	vor.u32 $0x3F800000, v8;
	v9 =	vmul.f32 $5.000000000e-01, v3  }
0x57: {  	v4 =	vshra.s32 v4, $0x17;
	vm1 =	vgt.f32 v3, $1.414213540e+00;
	v11 =	vmul.f32 $5.000000000e-01, v8  }
0x58: {  	vm3 =	vgt.f32 v1, $1.414213540e+00;
	vm2 =	vgt.f32 v8, $1.414213540e+00;
	v3 =	vsel vm1, v9, v3  }
0x59: {  	v9 =	vsel vm2, $0x1, v0;
	v8 =	vsel vm2, v11, v8;
	v3 =	vadd.f32 $-1.000000000e+00, v3  }
0x5a: {  	v1 =	vsel vm3, v10, v1;
	v11 =	vmul.f32 $5.000000000e-01, v2;
	v8 =	vadd.f32 $-1.000000000e+00, v8  }
0x5b: {  	v1 =	vadd.f32 $-1.000000000e+00, v1;
	v4 =	vadd.s32 v9, v4;
	v9 =	vmul.f32 $1.376623960e-01, v3  }
0x5c: {  	v2 =	vsel vm0, v11, v2;
	v11 =	vsel vm3, $0x1, v0;
	v10 =	vmul.f32 $1.376623960e-01, v8  }
0x5d: {  	v12 =	vmul.f32 $1.376623960e-01, v1;
	v4 =	vadd.s32 $0xFFFFFF81, v4;
	v2 =	vadd.f32 $-1.000000000e+00, v2  }
0x5e: {  	v13 =	vsel vm1, $0x1, v0;
	v9 =	vsub.f32 $2.203877720e-01, v9;
	v10 =	vsub.f32 $2.203877720e-01, v10  }
0x5f: {  	v7 =	vadd.s32 v13, v7;
	v12 =	vsub.f32 $2.203877720e-01, v12;
	v13 =	vmul.f32 $1.376623960e-01, v2  }
0x60: {  	v7 =	vadd.s32 $0xFFFFFF81, v7;
	v9 =	vmul.f32 v9, v3;
	v10 =	vmul.f32 v10, v8  }
0x61: {  	v7 =	vcvt.s32.f32 v7;
	v12 =	vmul.f32 v12, v1;
	v13 =	vsub.f32 $2.203877720e-01, v13  }
0x62: {  	v4 =	vcvt.s32.f32 v4;
	v9 =	vadd.f32 $-2.552293840e-01, v9;
	v10 =	vadd.f32 $-2.552293840e-01, v10  }
0x63: {  	v5 =	vadd.s32 v11, v5;
	v11 =	vadd.f32 $-2.552293840e-01, v12;
	v13 =	vmul.f32 v13, v2  }
0x64: {  	v5 =	vadd.s32 $0xFFFFFF81, v5;
	v9 =	vmul.f32 v9, v3;
	v10 =	vmul.f32 v10, v8  }
0x65: {  	v5 =	vcvt.s32.f32 v5;
	v11 =	vmul.f32 v11, v1;
	v12 =	vadd.f32 $-2.552293840e-01, v13  }
0x66: {  	v13 =	vsel vm0, $0x1, v0;
	v9 =	vadd.f32 $3.325310950e-01, v9;
	v10 =	vadd.f32 $3.325310950e-01, v10  }
0x67: {  	v11 =	vadd.f32 $3.325310950e-01, v11;
	v6 =	vadd.s32 v13, v6;
	v12 =	vmul.f32 v12, v2  }
0x68: {  	v6 =	vadd.s32 $0xFFFFFF81, v6;
	v9 =	vmul.f32 v9, v3;
	v10 =	vmul.f32 v10, v8  }
0x69: {  	v11 =	vmul.f32 v11, v1;
	v6 =	vcvt.s32.f32 v6;
	v12 =	vadd.f32 $3.325310950e-01, v12  }
0x6a: {  	v9 =	vadd.f32 $-4.998235110e-01, v9;
	v10 =	vadd.f32 $-4.998235110e-01, v10  }
0x6b: {  	v11 =	vadd.f32 $-4.998235110e-01, v11;
	v12 =	vmul.f32 v12, v2  }
0x6c: {  	v9 =	vmul.f32 v9, v3;
	v10 =	vmul.f32 v10, v8  }
0x6d: {  	v11 =	vmul.f32 v11, v1;
	v12 =	vadd.f32 $-4.998235110e-01, v12  }
0x6e: {  	v4 =	vmul.f32 $6.931471820e-01, v4;
	v9 =	vadd.f32 $1.000008340e+00, v9;
	v10 =	vadd.f32 $1.000008340e+00, v10  }
0x6f: {  	v7 =	vmul.f32 $6.931471820e-01, v7;
	v11 =	vadd.f32 $1.000008340e+00, v11;
	v12 =	vmul.f32 v12, v2  }
0x70: {  	v3 =	vmul.f32 v9, v3;
	v8 =	vmul.f32 v10, v8  }
0x71: {  	v5 =	vmul.f32 $6.931471820e-01, v5;
	v1 =	vmul.f32 v11, v1;
	v9 =	vadd.f32 $1.000008340e+00, v12  }
0x72: {  	v3 =	vadd.f32 v3, v7;
	v4 =	vadd.f32 v8, v4  }
0x73: {  	v6 =	vmul.f32 $6.931471820e-01, v6;
	v1 =	vadd.f32 v1, v5;
	v2 =	vmul.f32 v9, v2  }
0x74: {  	[tilespmem:$0x0] =	vst v4  }
0x75: {  	v2 =	vadd.f32 v2, v6;
	[tilespmem:$0x30] =	vst v1  }
0x76: {  	[tilespmem:$0x10] =	vst v3  }
0x77: {  	[tilespmem:$0x20] =	vst v2  }
0x78: {  	[spmem:s9] =	stream.linear.scatter [tilespmem:s2], [sflag:$0x4], $0x40, $0x38;
	[tilespmem:$0x4C0] =	vst v63  }
0x79: {  	_ =	swait.ge [sflag:s8], $0x40  }
0x7a: {  	[sflag:s8] =	ssyncset.done $0x0  }
0x7b: {  	[sflag:s8] =	ssyncadd.s32 $0xFFFFFFC0  }
.Ltmp1:
0x7c: {  	[bflag:$0x0] =	sbarrier.arrive $0xFFFF;
	(pc) =	sbr.rel @p0 .LBB2_1-.Ltmp1, $4  }
0x7d: {  	_ =	swait.ge [sflag:s10], $0x200  }
0x7e: {  	[sflag:s10] =	ssyncset.done $0x0  }
0x7f: {  	[sflag:s10] =	ssyncadd.s32 $0xFFFFFE00  }
0x80: {  	[tilespmem:s11], [sflag:$0x3] =	stream.indirect.gather [spmem:s3], $0x1, s6, s12, $0xb8;
	[tilespmem:$0x4C0] =	vst v63  }
.LBB2_2:
0x81: {  	_ =	swait.ge [sflag:s14], $0x200  }
0x82: {  	[sflag:s14] =	ssyncset.done $0x0  }
0x83: {  	[sflag:s14] =	ssyncadd.s32 $0xFFFFFE00  }
0x84: {  	[hbm4b:s13+s2] =	stream.linear.scatter [tilespmem:s11], [sflag:$0x4], $0x200, $0x38;
	[tilespmem:$0x4C0] =	vst v63  }
0x85: {  	_ =	swait.ge [sflag:s8], $0x200  }
0x86: {  	[sflag:s8] =	ssyncset.done $0x0  }
0x87: {  	[sflag:s8] =	ssyncadd.s32 $0xFFFFFE00  }
0x88: {  	_ =	sfence.sel $0x180000  }
0x89: {  	[bflag:$0x0] =	sbarrier.arrive $0xFFFF  }
0x8a: {  	p0 =	sne.s32 s1, $0x0;
	_ =	strace $0x90000047  }
0x8b: {  	s0 =	sadd.s32 @!p0 $0x100000, s0;
	[bflag:$0x2] =	sbarrier.arrive $0xFFFF  }
0x8c: {  	[sflag:s0] =	ssyncadd.tile.s32 @!p0 $0x1;
	_ =	shalt  }
.Lfunc_end2:
_tile_overlayer_lowered:
.L_overlay_start_2:
0x8d: {  	(tag) =	ssettag $0x2  }
0x8e: {  	s0 =	rddreg [dreg:$0x0];
	s2 =	stileid.u32  }
0x8f: {  	s1 =	rddreg [dreg:$0x1];
	p0 =	sne.s32 s2, $0x0  }
0x90: {  	s3 =	rddreg [dreg:$0x2];
	[bflag:$0x3] =	sbarrier.arrive $0xFFFF;
	s2 =	simm.s32 @!p0 $0x1C04  }
0x91: {  	[timem:s3], [sflag:s2] =	dma.local @!p0 [hbm:s0], s1  }
0x92: {  	s0 =	simm.s32 @!p0 $0x4  }
0x93: {  	_ =	swait.ge @!p0 [sflag:s0], s1  }
0x94: {  	s1 =	ssub.s32 @!p0 $0x0, s1;
	[sflag:s0] =	ssyncset.done @!p0 $0x0  }
0x95: {  	[sflag:s0] =	ssyncadd.s32 @!p0 s1  }
0x96: {  	[bflag:$0x3] =	sbarrier.arrive $0xFFFF  }
0x97: {  	_ =	shalt  }

</sc_bundles>
